<compile_context>
chip_gen: v7x
topology: tpu7x:2x2x1
jax: 0.10.2.dev20260603
libtpu: 0.0.44.dev20260713+nightly
codegen_flags: <defaults>
</compile_context>

<pallas_src>
import functools

import jax
import jax.numpy as jnp
from jax import lax
from jax.experimental import pallas as pl
from jax.experimental.pallas import tpu as pltpu
from jax.experimental.pallas import tpu_sc as plsc

BATCH = 16384
EMBED = 32
HIDDEN = 64
LINE = 128
RPL = LINE // EMBED
NROWS = 1000000
NLINES = NROWS // RPL

_info = plsc.get_sparse_core_info()
_NC, _NS = _info.num_cores, _info.num_subcores
_NW = _NC * _NS
_BPW = BATCH // _NW
_L = _info.num_lanes

_mesh = plsc.VectorSubcoreMesh(core_axis_name="c", subcore_axis_name="s")

_TCH = 32768

_NSB = (NROWS + _TCH - 1) // _TCH
_QPB = _TCH // RPL
_TCH_LOG = _TCH.bit_length() - 1
_QPB_LOG = _QPB.bit_length() - 1
_NLINES_P = _NSB * _QPB


def _pack_body(t_ref, eye_ref, o_ref):
    x = t_ref[...]
    e = eye_ref[...]
    parts = [
        lax.dot_general(
            x[:, a * _QPB:(a + 1) * _QPB], e,
            (((0,), (0,)), ((), ())),
            preferred_element_type=jnp.float32,
        )
        for a in range(RPL)
    ]
    o_ref[...] = jnp.concatenate(parts, axis=1)


def _pack(tT, eye):
    return pl.pallas_call(
        _pack_body,
        grid=(_NSB,),
        in_specs=[
            pl.BlockSpec((EMBED, _TCH), lambda i: (0, i)),
            pl.BlockSpec((EMBED, EMBED), lambda i: (0, 0)),
        ],
        out_specs=pl.BlockSpec((_QPB, LINE), lambda i: (i, 0)),
        out_shape=jax.ShapeDtypeStruct((_NLINES_P, LINE), jnp.float32),
    )(tT, eye)


@functools.partial(
    pl.kernel,
    mesh=_mesh,
    out_type=jax.ShapeDtypeStruct((BATCH, LINE), jnp.float32),
    scratch_types=[
        pltpu.VMEM((_BPW,), jnp.int32),
        pltpu.VMEM((_BPW,), jnp.int32),
        pltpu.VMEM((_BPW, LINE), jnp.float32),
        pltpu.SemaphoreType.DMA,
    ],
)
def _sc_gather(id_hbm, tbl_hbm, o_hbm, idx_v, lin_v, lines_v, sem):
    wid = lax.axis_index("s") * _NC + lax.axis_index("c")
    base = wid * _BPW
    pltpu.sync_copy(id_hbm.at[pl.ds(base, _BPW)], idx_v)

    def _shift(g, carry):
        s = pl.ds(g * _L, _L)
        v = idx_v[s]
        lin_v[s] = lax.shift_left(lax.shift_right_logical(v, _TCH_LOG), _QPB_LOG) | (v & (_QPB - 1))
        return carry

    lax.fori_loop(0, _BPW // _L, _shift, 0)

    pltpu.async_copy(tbl_hbm.at[lin_v], lines_v, sem).wait()
    pltpu.sync_copy(lines_v, o_hbm.at[pl.ds(base, _BPW)])


_BLK = 1024


def _mlp_body(ids_ref, ul_ref, pl_ref, w1u_ref, w1p_ref, b1_ref, w2_ref,
              b2_ref, o_ref):
    uoff = lax.shift_right_logical(ids_ref[:, 0:1], _QPB_LOG) & (RPL - 1)
    poff = lax.shift_right_logical(ids_ref[:, 1:2], _QPB_LOG) & (RPL - 1)
    lu = ul_ref[...]
    lp = pl_ref[...]
    uemb = (uoff == 0).astype(jnp.float32) * lu[:, 0:EMBED]
    pemb = (poff == 0).astype(jnp.float32) * lp[:, 0:EMBED]
    for k in range(1, RPL):
        uemb += (uoff == k).astype(jnp.float32) * lu[:, k * EMBED:(k + 1) * EMBED]
        pemb += (poff == k).astype(jnp.float32) * lp[:, k * EMBED:(k + 1) * EMBED]
    x = (jnp.dot(uemb, w1u_ref[...], preferred_element_type=jnp.float32)
         + jnp.dot(pemb, w1p_ref[...], preferred_element_type=jnp.float32)
         + b1_ref[...])
    x = jnp.maximum(x, 0.0)
    o_ref[...] = jnp.sum(x * w2_ref[...], axis=1, keepdims=True) + b2_ref[...]


def _mlp(ids2, u_lines, p_lines, w1u, w1p, b1_2d, w2t, b2_2d):
    grid = (BATCH // _BLK,)
    return pl.pallas_call(
        _mlp_body,
        grid=grid,
        in_specs=[
            pl.BlockSpec((_BLK, 2), lambda i: (i, 0)),
            pl.BlockSpec((_BLK, LINE), lambda i: (i, 0)),
            pl.BlockSpec((_BLK, LINE), lambda i: (i, 0)),
            pl.BlockSpec((EMBED, HIDDEN), lambda i: (0, 0)),
            pl.BlockSpec((EMBED, HIDDEN), lambda i: (0, 0)),
            pl.BlockSpec((1, HIDDEN), lambda i: (0, 0)),
            pl.BlockSpec((1, HIDDEN), lambda i: (0, 0)),
            pl.BlockSpec((1, 1), lambda i: (0, 0)),
        ],
        out_specs=pl.BlockSpec((_BLK, 1), lambda i: (i, 0)),
        out_shape=jax.ShapeDtypeStruct((BATCH, 1), jnp.float32),
    )(ids2, u_lines, p_lines, w1u, w1p, b1_2d, w2t, b2_2d)


def kernel(user_ids, post_ids, user_table, post_table, W1, b1, W2, b2):
    eye = jnp.eye(EMBED, dtype=jnp.float32)
    u_pack = _pack(user_table.T, eye)
    u_lines = _sc_gather(user_ids, u_pack)
    p_pack = _pack(post_table.T, eye)
    p_lines = _sc_gather(post_ids, p_pack)
    ids2 = jnp.stack([user_ids, post_ids], axis=1)
    return _mlp(
        ids2, u_lines, p_lines,
        W1[:EMBED], W1[EMBED:],
        b1.reshape(1, HIDDEN),
        W2.reshape(1, HIDDEN),
        b2.reshape(1, 1),
    )

# --- scband reference (transcript-rebuilt; emitter-appended) ---
"""Pipeline reference for scband-video-recommender-9388798509658 (READ-ONLY COPY).

The authoritative reference and input builder live on the scoring server;
editing this copy changes nothing except your own understanding.
"""

import jax, jax.numpy as jnp
import numpy as np

NUM_USERS = 1000000
NUM_POSTS = 1000000
EMBED_DIM = 32
BATCH = 16384
HIDDEN = 64

def setup_inputs(seed: int = 0) -> dict:
    key = jax.random.key(seed)
    k1, k2, k3, k4, k5, k6, k7, k8 = jax.random.split(key, 8)
    user_ids = jax.random.randint(k1, (BATCH,), 0, NUM_USERS, dtype=jnp.int64) if jax.config.jax_enable_x64 else jax.random.randint(k1, (BATCH,), 0, NUM_USERS, dtype=jnp.int32)
    post_ids = jax.random.randint(k2, (BATCH,), 0, NUM_POSTS, dtype=jnp.int32)
    user_ids = jax.random.randint(k1, (BATCH,), 0, NUM_USERS, dtype=jnp.int32)
    user_table = jax.random.normal(k3, (NUM_USERS, EMBED_DIM), dtype=jnp.float32)
    post_table = jax.random.normal(k4, (NUM_POSTS, EMBED_DIM), dtype=jnp.float32)
    W1 = jax.random.normal(k5, (EMBED_DIM * 2, HIDDEN), dtype=jnp.float32) * (1.0 / np.sqrt(EMBED_DIM * 2))
    b1 = jax.random.normal(k6, (HIDDEN,), dtype=jnp.float32) * 0.01
    W2 = jax.random.normal(k7, (HIDDEN, 1), dtype=jnp.float32) * (1.0 / np.sqrt(HIDDEN))
    b2 = jax.random.normal(k8, (1,), dtype=jnp.float32) * 0.01
    return {"user_ids": user_ids, "post_ids": post_ids, "user_table": user_table, "post_table": post_table, "W1": W1, "b1": b1, "W2": W2, "b2": b2}

def reference(user_ids, post_ids, user_table, post_table, W1, b1, W2, b2):
    user_vec = jnp.take(user_table, user_ids, axis=0)
    post_vec = jnp.take(post_table, post_ids, axis=0)
    combined = jnp.concatenate([user_vec, post_vec], axis=1)
    x = combined @ W1 + b1
    x = jax.nn.relu(x)
    out = x @ W2 + b2
    return out

if __name__ == "__main__":
    import jax
    _d = setup_inputs()
    print(jax.jit(kernel)(*tuple(_d.values())))

</pallas_src>

<mosaic_0001>
#map = affine_map<(d0, d1) -> (0)>
#map1 = affine_map<(d0, d1) -> (0, 0)>
module attributes {stable_mosaic.version = 14 : i64} {
  func.func @_sc_gather(%arg0: i32, %arg1: i32, %arg2: memref<16384xi32, #tpu.memory_space<hbm>>, %arg3: memref<253952x128xf32, #tpu.memory_space<hbm>>, %arg4: memref<16384x128xf32, #tpu.memory_space<hbm>>, %arg5: memref<512xi32, #tpu.memory_space<vmem>>, %arg6: memref<512xi32, #tpu.memory_space<vmem>>, %arg7: memref<512x128xf32, #tpu.memory_space<vmem>>, %arg8: memref<!tpu.dma_semaphore, #tpu.memory_space<semaphore_mem>>) attributes {dimension_semantics = [#tpu.dimension_semantics<core_parallel>, #tpu.dimension_semantics<subcore_parallel>], iteration_bounds = array<i64: 2, 16>, scalar_prefetch = 0 : i64, scratch_operands = 4 : i64, tpu.core_type = #tpu.core_type<sc_vector_subcore>, window_params = [{transform_indices = #map}, {transform_indices = #map1}, {transform_indices = #map1}]} {
    %mul3A = arith.constant 2 : i32
    %mul3A_0 = arith.muli %arg1, %mul3A : i32
    %add3A = arith.addi %mul3A_0, %arg0 : i32
    %mul3A_1 = arith.constant 512 : i32
    %mul3A_2 = arith.muli %add3A, %mul3A_1 : i32
    "tpu.region"() ({
      %run_scoped3A = tpu.sem_alloc : memref<!tpu.dma_semaphore, #tpu.memory_space<semaphore_mem>>
      %dma_start3A_12 = tpu.memref_slice %arg2[%mul3A_2] : memref<16384xi32, #tpu.memory_space<hbm>> -> memref<512xi32, #tpu.memory_space<hbm>>
      %dma_start3A_13 = tpu.memref_slice %arg2[%mul3A_2] : memref<16384xi32, #tpu.memory_space<hbm>> -> memref<512xi32, #tpu.memory_space<hbm>>
      tpu.enqueue_dma source(%dma_start3A_13 : memref<512xi32, #tpu.memory_space<hbm>>) target(%arg5 : memref<512xi32, #tpu.memory_space<vmem>>) target_semaphore(%run_scoped3A : memref<!tpu.dma_semaphore, #tpu.memory_space<semaphore_mem>>)
      %dma_wait3A_14 = tpu.memref_slice %arg2[%mul3A_2] : memref<16384xi32, #tpu.memory_space<hbm>> -> memref<512xi32, #tpu.memory_space<hbm>>
      %dma_wait3A_15 = tpu.memref_slice %arg2[%mul3A_2] : memref<16384xi32, #tpu.memory_space<hbm>> -> memref<512xi32, #tpu.memory_space<hbm>>
      tpu.wait_dma2 semaphore(%run_scoped3A : memref<!tpu.dma_semaphore, #tpu.memory_space<semaphore_mem>>) src(%dma_wait3A_15 : memref<512xi32, #tpu.memory_space<hbm>>) dst(%arg5 : memref<512xi32, #tpu.memory_space<vmem>>)
      tpu.yield
    }) : () -> ()
    %scan3A = arith.constant 0 : i32
    %scan3A_3 = arith.constant 0 : i32
    %scan3A_4 = arith.constant 32 : i32
    %scan3A_5 = arith.addi %scan3A_3, %scan3A_4 : i32
    %scan3A_6 = arith.constant 1 : i32
    scf.for %scan3A_12 = %scan3A_3 to %scan3A_5 step %scan3A_6  : i32 {
      %mul3A_13 = arith.constant 16 : i32
      %mul3A_14 = arith.muli %scan3A_12, %mul3A_13 : i32
      %get3A = arith.index_cast %mul3A_14 : i32 to index
      %get3A_15 = tpu.vector_load %arg5[%get3A] {strides = array<i32>} : memref<512xi32, #tpu.memory_space<vmem>>, vector<16xi32>,
      %get3A_16 = vector.shape_cast %get3A_15 : vector<16xi32> to vector<16xi32>
      %shift_right_logical3A = arith.constant 15 : i32
      %shift_right_logical3A_17 = vector.broadcast %shift_right_logical3A : i32 to vector<16xi32>
      %shift_right_logical3A_18 = arith.shrui %get3A_16, %shift_right_logical3A_17 : vector<16xi32>
      %shift_left3A = arith.constant 13 : i32
      %shift_left3A_19 = vector.broadcast %shift_left3A : i32 to vector<16xi32>
      %shift_left3A_20 = arith.shli %shift_right_logical3A_18, %shift_left3A_19 : vector<16xi32>
      %and3A = arith.constant 8191 : i32
      %and3A_21 = vector.broadcast %and3A : i32 to vector<16xi32>
      %and3A_22 = arith.andi %get3A_16, %and3A_21 : vector<16xi32>
      %or3A = arith.ori %shift_left3A_20, %and3A_22 : vector<16xi32>
      %swap3A = arith.index_cast %mul3A_14 : i32 to index
      %swap3A_23 = tpu.vector_load %arg6[%swap3A] {strides = array<i32>} : memref<512xi32, #tpu.memory_space<vmem>>, vector<16xi32>,
      %swap3A_24 = vector.shape_cast %swap3A_23 : vector<16xi32> to vector<16xi32>
      %swap3A_25 = vector.shape_cast %or3A : vector<16xi32> to vector<16xi32>
      tpu.vector_store %arg6[%swap3A], %swap3A_25 {strides = array<i32>} : memref<512xi32, #tpu.memory_space<vmem>>, vector<16xi32>,
    }
    %scan3A_7 = arith.constant 32 : i32
    %dma_start3A = arith.constant 0 : i32
    %dma_start3A_8 = arith.constant 0 : i32
    %dma_start3A_9 = tpu.memref_slice %arg3[%dma_start3A, %dma_start3A_8] : memref<253952x128xf32, #tpu.memory_space<hbm>> -> memref<253952x128xf32, #tpu.memory_space<hbm>>
    tpu.enqueue_indirect_dma source(%dma_start3A_9 : memref<253952x128xf32, #tpu.memory_space<hbm>>) target(%arg7 : memref<512x128xf32, #tpu.memory_space<vmem>>) offsets(%arg6 : memref<512xi32, #tpu.memory_space<vmem>>) semaphore(%arg8 : memref<!tpu.dma_semaphore, #tpu.memory_space<semaphore_mem>>)
    %dma_wait3A = arith.constant 0 : i32
    %dma_wait3A_10 = arith.constant 0 : i32
    %dma_wait3A_11 = tpu.memref_slice %arg3[%dma_wait3A, %dma_wait3A_10] : memref<253952x128xf32, #tpu.memory_space<hbm>> -> memref<253952x128xf32, #tpu.memory_space<hbm>>
    tpu.wait_indirect_dma semaphore(%arg8 : memref<!tpu.dma_semaphore, #tpu.memory_space<semaphore_mem>>) src(%dma_wait3A_11 : memref<253952x128xf32, #tpu.memory_space<hbm>>) dst(%arg7 : memref<512x128xf32, #tpu.memory_space<vmem>>)
    "tpu.region"() ({
      %run_scoped3A = tpu.sem_alloc : memref<!tpu.dma_semaphore, #tpu.memory_space<semaphore_mem>>
      %dma_start3A_12 = arith.constant 0 : i32
      %dma_start3A_13 = tpu.memref_slice %arg4[%mul3A_2, %dma_start3A_12] : memref<16384x128xf32, #tpu.memory_space<hbm>> -> memref<512x128xf32, #tpu.memory_space<hbm>>
      %dma_start3A_14 = arith.constant 0 : i32
      %dma_start3A_15 = tpu.memref_slice %arg4[%mul3A_2, %dma_start3A_14] : memref<16384x128xf32, #tpu.memory_space<hbm>> -> memref<512x128xf32, #tpu.memory_space<hbm>>
      tpu.enqueue_dma source(%arg7 : memref<512x128xf32, #tpu.memory_space<vmem>>) target(%dma_start3A_15 : memref<512x128xf32, #tpu.memory_space<hbm>>) target_semaphore(%run_scoped3A : memref<!tpu.dma_semaphore, #tpu.memory_space<semaphore_mem>>)
      %dma_wait3A_16 = arith.constant 0 : i32
      %dma_wait3A_17 = tpu.memref_slice %arg4[%mul3A_2, %dma_wait3A_16] : memref<16384x128xf32, #tpu.memory_space<hbm>> -> memref<512x128xf32, #tpu.memory_space<hbm>>
      %dma_wait3A_18 = arith.constant 0 : i32
      %dma_wait3A_19 = tpu.memref_slice %arg4[%mul3A_2, %dma_wait3A_18] : memref<16384x128xf32, #tpu.memory_space<hbm>> -> memref<512x128xf32, #tpu.memory_space<hbm>>
      tpu.wait_dma2 semaphore(%run_scoped3A : memref<!tpu.dma_semaphore, #tpu.memory_space<semaphore_mem>>) src(%arg7 : memref<512x128xf32, #tpu.memory_space<vmem>>) dst(%dma_wait3A_19 : memref<512x128xf32, #tpu.memory_space<hbm>>)
      tpu.yield
    }) : () -> ()
    return
  }
}

#map = affine_map<(d0, d1) -> (0)>
#map1 = affine_map<(d0, d1) -> (0, 0)>
module attributes {stable_mosaic.version = 14 : i64} {
  func.func @_sc_gather(%arg0: i32, %arg1: i32, %arg2: memref<16384xi32, #tpu.memory_space<hbm>>, %arg3: memref<253952x128xf32, #tpu.memory_space<hbm>>, %arg4: memref<16384x128xf32, #tpu.memory_space<hbm>>, %arg5: memref<512xi32, #tpu.memory_space<vmem>>, %arg6: memref<512xi32, #tpu.memory_space<vmem>>, %arg7: memref<512x128xf32, #tpu.memory_space<vmem>>, %arg8: memref<!tpu.dma_semaphore, #tpu.memory_space<semaphore_mem>>) attributes {dimension_semantics = [#tpu.dimension_semantics<core_parallel>, #tpu.dimension_semantics<subcore_parallel>], iteration_bounds = array<i64: 2, 16>, scalar_prefetch = 0 : i64, scratch_operands = 4 : i64, tpu.core_type = #tpu.core_type<sc_vector_subcore>, window_params = [{transform_indices = #map}, {transform_indices = #map1}, {transform_indices = #map1}]} {
    %mul3A = arith.constant 2 : i32
    %mul3A_0 = arith.muli %arg1, %mul3A : i32
    %add3A = arith.addi %mul3A_0, %arg0 : i32
    %mul3A_1 = arith.constant 512 : i32
    %mul3A_2 = arith.muli %add3A, %mul3A_1 : i32
    "tpu.region"() ({
      %run_scoped3A = tpu.sem_alloc : memref<!tpu.dma_semaphore, #tpu.memory_space<semaphore_mem>>
      %dma_start3A_12 = tpu.memref_slice %arg2[%mul3A_2] : memref<16384xi32, #tpu.memory_space<hbm>> -> memref<512xi32, #tpu.memory_space<hbm>>
      %dma_start3A_13 = tpu.memref_slice %arg2[%mul3A_2] : memref<16384xi32, #tpu.memory_space<hbm>> -> memref<512xi32, #tpu.memory_space<hbm>>
      tpu.enqueue_dma source(%dma_start3A_13 : memref<512xi32, #tpu.memory_space<hbm>>) target(%arg5 : memref<512xi32, #tpu.memory_space<vmem>>) target_semaphore(%run_scoped3A : memref<!tpu.dma_semaphore, #tpu.memory_space<semaphore_mem>>)
      %dma_wait3A_14 = tpu.memref_slice %arg2[%mul3A_2] : memref<16384xi32, #tpu.memory_space<hbm>> -> memref<512xi32, #tpu.memory_space<hbm>>
      %dma_wait3A_15 = tpu.memref_slice %arg2[%mul3A_2] : memref<16384xi32, #tpu.memory_space<hbm>> -> memref<512xi32, #tpu.memory_space<hbm>>
      tpu.wait_dma2 semaphore(%run_scoped3A : memref<!tpu.dma_semaphore, #tpu.memory_space<semaphore_mem>>) src(%dma_wait3A_15 : memref<512xi32, #tpu.memory_space<hbm>>) dst(%arg5 : memref<512xi32, #tpu.memory_space<vmem>>)
      tpu.yield
    }) : () -> ()
    %scan3A = arith.constant 0 : i32
    %scan3A_3 = arith.constant 0 : i32
    %scan3A_4 = arith.constant 32 : i32
    %scan3A_5 = arith.addi %scan3A_3, %scan3A_4 : i32
    %scan3A_6 = arith.constant 1 : i32
    scf.for %scan3A_12 = %scan3A_3 to %scan3A_5 step %scan3A_6  : i32 {
      %mul3A_13 = arith.constant 16 : i32
      %mul3A_14 = arith.muli %scan3A_12, %mul3A_13 : i32
      %get3A = arith.index_cast %mul3A_14 : i32 to index
      %get3A_15 = tpu.vector_load %arg5[%get3A] {strides = array<i32>} : memref<512xi32, #tpu.memory_space<vmem>>, vector<16xi32>,
      %get3A_16 = vector.shape_cast %get3A_15 : vector<16xi32> to vector<16xi32>
      %shift_right_logical3A = arith.constant 15 : i32
      %shift_right_logical3A_17 = vector.broadcast %shift_right_logical3A : i32 to vector<16xi32>
      %shift_right_logical3A_18 = arith.shrui %get3A_16, %shift_right_logical3A_17 : vector<16xi32>
      %shift_left3A = arith.constant 13 : i32
      %shift_left3A_19 = vector.broadcast %shift_left3A : i32 to vector<16xi32>
      %shift_left3A_20 = arith.shli %shift_right_logical3A_18, %shift_left3A_19 : vector<16xi32>
      %and3A = arith.constant 8191 : i32
      %and3A_21 = vector.broadcast %and3A : i32 to vector<16xi32>
      %and3A_22 = arith.andi %get3A_16, %and3A_21 : vector<16xi32>
      %or3A = arith.ori %shift_left3A_20, %and3A_22 : vector<16xi32>
      %swap3A = arith.index_cast %mul3A_14 : i32 to index
      %swap3A_23 = tpu.vector_load %arg6[%swap3A] {strides = array<i32>} : memref<512xi32, #tpu.memory_space<vmem>>, vector<16xi32>,
      %swap3A_24 = vector.shape_cast %swap3A_23 : vector<16xi32> to vector<16xi32>
      %swap3A_25 = vector.shape_cast %or3A : vector<16xi32> to vector<16xi32>
      tpu.vector_store %arg6[%swap3A], %swap3A_25 {strides = array<i32>} : memref<512xi32, #tpu.memory_space<vmem>>, vector<16xi32>,
    }
    %scan3A_7 = arith.constant 32 : i32
    %dma_start3A = arith.constant 0 : i32
    %dma_start3A_8 = arith.constant 0 : i32
    %dma_start3A_9 = tpu.memref_slice %arg3[%dma_start3A, %dma_start3A_8] : memref<253952x128xf32, #tpu.memory_space<hbm>> -> memref<253952x128xf32, #tpu.memory_space<hbm>>
    tpu.enqueue_indirect_dma source(%dma_start3A_9 : memref<253952x128xf32, #tpu.memory_space<hbm>>) target(%arg7 : memref<512x128xf32, #tpu.memory_space<vmem>>) offsets(%arg6 : memref<512xi32, #tpu.memory_space<vmem>>) semaphore(%arg8 : memref<!tpu.dma_semaphore, #tpu.memory_space<semaphore_mem>>)
    %dma_wait3A = arith.constant 0 : i32
    %dma_wait3A_10 = arith.constant 0 : i32
    %dma_wait3A_11 = tpu.memref_slice %arg3[%dma_wait3A, %dma_wait3A_10] : memref<253952x128xf32, #tpu.memory_space<hbm>> -> memref<253952x128xf32, #tpu.memory_space<hbm>>
    tpu.wait_indirect_dma semaphore(%arg8 : memref<!tpu.dma_semaphore, #tpu.memory_space<semaphore_mem>>) src(%dma_wait3A_11 : memref<253952x128xf32, #tpu.memory_space<hbm>>) dst(%arg7 : memref<512x128xf32, #tpu.memory_space<vmem>>)
    "tpu.region"() ({
      %run_scoped3A = tpu.sem_alloc : memref<!tpu.dma_semaphore, #tpu.memory_space<semaphore_mem>>
      %dma_start3A_12 = arith.constant 0 : i32
      %dma_start3A_13 = tpu.memref_slice %arg4[%mul3A_2, %dma_start3A_12] : memref<16384x128xf32, #tpu.memory_space<hbm>> -> memref<512x128xf32, #tpu.memory_space<hbm>>
      %dma_start3A_14 = arith.constant 0 : i32
      %dma_start3A_15 = tpu.memref_slice %arg4[%mul3A_2, %dma_start3A_14] : memref<16384x128xf32, #tpu.memory_space<hbm>> -> memref<512x128xf32, #tpu.memory_space<hbm>>
      tpu.enqueue_dma source(%arg7 : memref<512x128xf32, #tpu.memory_space<vmem>>) target(%dma_start3A_15 : memref<512x128xf32, #tpu.memory_space<hbm>>) target_semaphore(%run_scoped3A : memref<!tpu.dma_semaphore, #tpu.memory_space<semaphore_mem>>)
      %dma_wait3A_16 = arith.constant 0 : i32
      %dma_wait3A_17 = tpu.memref_slice %arg4[%mul3A_2, %dma_wait3A_16] : memref<16384x128xf32, #tpu.memory_space<hbm>> -> memref<512x128xf32, #tpu.memory_space<hbm>>
      %dma_wait3A_18 = arith.constant 0 : i32
      %dma_wait3A_19 = tpu.memref_slice %arg4[%mul3A_2, %dma_wait3A_18] : memref<16384x128xf32, #tpu.memory_space<hbm>> -> memref<512x128xf32, #tpu.memory_space<hbm>>
      tpu.wait_dma2 semaphore(%run_scoped3A : memref<!tpu.dma_semaphore, #tpu.memory_space<semaphore_mem>>) src(%arg7 : memref<512x128xf32, #tpu.memory_space<vmem>>) dst(%dma_wait3A_19 : memref<512x128xf32, #tpu.memory_space<hbm>>)
      tpu.yield
    }) : () -> ()
    return
  }
}

module attributes {stable_mosaic.version = 14 : i64} {
  func.func @_pack_body(%arg0: i32, %arg1: memref<32x32768xf32, #tpu.memory_space<vmem>>, %arg2: memref<32x32xf32, #tpu.memory_space<vmem>>, %arg3: memref<8192x128xf32, #tpu.memory_space<vmem>>) attributes {dimension_semantics = [#tpu.dimension_semantics<arbitrary>], iteration_bounds = array<i64: 31>, scalar_prefetch = 0 : i64, scratch_operands = 0 : i64, tpu.core_type = #tpu.core_type<tc>, window_params = [{transform_indices = @transform_0, window_bounds = array<i64: 32, 32768>}, {pipeline_mode = #tpu.pipeline_mode<synchronous>, transform_indices = @transform_1, window_bounds = array<i64: 32, 32>}, {transform_indices = @transform_2, window_bounds = array<i64: 8192, 128>}]} {
    %get3A = arith.constant 0 : index
    %get3A_0 = arith.constant 0 : index
    %get3A_1 = vector.load %arg1[%get3A, %get3A_0] : memref<32x32768xf32, #tpu.memory_space<vmem>>, vector<32x32768xf32>
    %get3A_2 = arith.constant 0 : index
    %get3A_3 = arith.constant 0 : index
    %get3A_4 = vector.load %arg2[%get3A_2, %get3A_3] : memref<32x32xf32, #tpu.memory_space<vmem>>, vector<32x32xf32>
    %slice3A = vector.extract_strided_slice %get3A_1 {offsets = [0, 0], sizes = [32, 8192], strides = [1, 1]} : vector<32x32768xf32> to vector<32x8192xf32>
    %dot_general3A = arith.constant dense<0.000000e+00> : vector<8192x32xf32>
    %dot_general3A_5 = tpu.matmul %slice3A, %get3A_4, %dot_general3A {dimension_numbers = #tpu.dot_dimension_numbers<[0], [0], [1], [1], [0, 1, 1, 1], [], []>, transpose_lhs_hint = false} : vector<32x8192xf32>, vector<32x32xf32>, vector<8192x32xf32> -> vector<8192x32xf32>
    %slice3A_6 = vector.extract_strided_slice %get3A_1 {offsets = [0, 8192], sizes = [32, 8192], strides = [1, 1]} : vector<32x32768xf32> to vector<32x8192xf32>
    %dot_general3A_7 = arith.constant dense<0.000000e+00> : vector<8192x32xf32>
    %dot_general3A_8 = tpu.matmul %slice3A_6, %get3A_4, %dot_general3A_7 {dimension_numbers = #tpu.dot_dimension_numbers<[0], [0], [1], [1], [0, 1, 1, 1], [], []>, transpose_lhs_hint = false} : vector<32x8192xf32>, vector<32x32xf32>, vector<8192x32xf32> -> vector<8192x32xf32>
    %slice3A_9 = vector.extract_strided_slice %get3A_1 {offsets = [0, 16384], sizes = [32, 8192], strides = [1, 1]} : vector<32x32768xf32> to vector<32x8192xf32>
    %dot_general3A_10 = arith.constant dense<0.000000e+00> : vector<8192x32xf32>
    %dot_general3A_11 = tpu.matmul %slice3A_9, %get3A_4, %dot_general3A_10 {dimension_numbers = #tpu.dot_dimension_numbers<[0], [0], [1], [1], [0, 1, 1, 1], [], []>, transpose_lhs_hint = false} : vector<32x8192xf32>, vector<32x32xf32>, vector<8192x32xf32> -> vector<8192x32xf32>
    %slice3A_12 = vector.extract_strided_slice %get3A_1 {offsets = [0, 24576], sizes = [32, 8192], strides = [1, 1]} : vector<32x32768xf32> to vector<32x8192xf32>
    %dot_general3A_13 = arith.constant dense<0.000000e+00> : vector<8192x32xf32>
    %dot_general3A_14 = tpu.matmul %slice3A_12, %get3A_4, %dot_general3A_13 {dimension_numbers = #tpu.dot_dimension_numbers<[0], [0], [1], [1], [0, 1, 1, 1], [], []>, transpose_lhs_hint = false} : vector<32x8192xf32>, vector<32x32xf32>, vector<8192x32xf32> -> vector<8192x32xf32>
    %concatenate3A = tpu.concatenate %dot_general3A_5, %dot_general3A_8, %dot_general3A_11, %dot_general3A_14 in 1 : vector<8192x32xf32>, vector<8192x32xf32>, vector<8192x32xf32>, vector<8192x32xf32> -> vector<8192x128xf32>
    %swap3A = arith.constant 0 : index
    %swap3A_15 = arith.constant 0 : index
    %swap3A_16 = vector.load %arg3[%swap3A, %swap3A_15] : memref<8192x128xf32, #tpu.memory_space<vmem>>, vector<8192x128xf32>
    tpu.vector_store %arg3[%swap3A, %swap3A_15], %concatenate3A {strides = array<i32>} : memref<8192x128xf32, #tpu.memory_space<vmem>>, vector<8192x128xf32>,
    return
  }
  func.func @transform_0(%arg0: i32) -> (i32, i32) {
    %c0_i32 = arith.constant 0 : i32
    %c0_i32_0 = arith.constant 0 : i32
    return %c0_i32, %arg0 : i32, i32
  }
  func.func @transform_1(%arg0: i32) -> (i32, i32) {
    %c0_i32 = arith.constant 0 : i32
    %c0_i32_0 = arith.constant 0 : i32
    %c0_i32_1 = arith.constant 0 : i32
    return %c0_i32, %c0_i32_0 : i32, i32
  }
  func.func @transform_2(%arg0: i32) -> (i32, i32) {
    %c0_i32 = arith.constant 0 : i32
    %c0_i32_0 = arith.constant 0 : i32
    return %arg0, %c0_i32 : i32, i32
  }
}

module attributes {stable_mosaic.version = 14 : i64} {
  func.func @_mlp_body(%arg0: i32, %arg1: memref<1024x2xi32, #tpu.memory_space<vmem>>, %arg2: memref<1024x128xf32, #tpu.memory_space<vmem>>, %arg3: memref<1024x128xf32, #tpu.memory_space<vmem>>, %arg4: memref<32x64xf32, #tpu.memory_space<vmem>>, %arg5: memref<32x64xf32, #tpu.memory_space<vmem>>, %arg6: memref<1x64xf32, #tpu.memory_space<vmem>>, %arg7: memref<1x64xf32, #tpu.memory_space<vmem>>, %arg8: memref<1x1xf32, #tpu.memory_space<vmem>>, %arg9: memref<1024x1xf32, #tpu.memory_space<vmem>>) attributes {dimension_semantics = [#tpu.dimension_semantics<arbitrary>], iteration_bounds = array<i64: 16>, scalar_prefetch = 0 : i64, scratch_operands = 0 : i64, tpu.core_type = #tpu.core_type<tc>, window_params = [{transform_indices = @transform_0, window_bounds = array<i64: 1024, 2>}, {transform_indices = @transform_1, window_bounds = array<i64: 1024, 128>}, {transform_indices = @transform_2, window_bounds = array<i64: 1024, 128>}, {pipeline_mode = #tpu.pipeline_mode<synchronous>, transform_indices = @transform_3, window_bounds = array<i64: 32, 64>}, {pipeline_mode = #tpu.pipeline_mode<synchronous>, transform_indices = @transform_4, window_bounds = array<i64: 32, 64>}, {pipeline_mode = #tpu.pipeline_mode<synchronous>, transform_indices = @transform_5, window_bounds = array<i64: 1, 64>}, {pipeline_mode = #tpu.pipeline_mode<synchronous>, transform_indices = @transform_6, window_bounds = array<i64: 1, 64>}, {pipeline_mode = #tpu.pipeline_mode<synchronous>, transform_indices = @transform_7, window_bounds = array<i64: 1, 1>}, {transform_indices = @transform_8, window_bounds = array<i64: 1024, 1>}]} {
    %get3A = arith.constant 0 : index
    %get3A_0 = arith.constant 0 : index
    %get3A_1 = vector.load %arg1[%get3A, %get3A_0] : memref<1024x2xi32, #tpu.memory_space<vmem>>, vector<1024x1xi32>
    %shift_right_logical3A = arith.constant 13 : i32
    %shift_right_logical3A_2 = vector.broadcast %shift_right_logical3A : i32 to vector<1024x1xi32>
    %shift_right_logical3A_3 = arith.shrui %get3A_1, %shift_right_logical3A_2 : vector<1024x1xi32>
    %and3A = arith.constant 3 : i32
    %and3A_4 = vector.broadcast %and3A : i32 to vector<1024x1xi32>
    %and3A_5 = arith.andi %shift_right_logical3A_3, %and3A_4 : vector<1024x1xi32>
    %get3A_6 = arith.constant 0 : index
    %get3A_7 = arith.constant 1 : index
    %get3A_8 = vector.load %arg1[%get3A_6, %get3A_7] : memref<1024x2xi32, #tpu.memory_space<vmem>>, vector<1024x1xi32>
    %shift_right_logical3A_9 = arith.constant 13 : i32
    %shift_right_logical3A_10 = vector.broadcast %shift_right_logical3A_9 : i32 to vector<1024x1xi32>
    %shift_right_logical3A_11 = arith.shrui %get3A_8, %shift_right_logical3A_10 : vector<1024x1xi32>
    %and3A_12 = arith.constant 3 : i32
    %and3A_13 = vector.broadcast %and3A_12 : i32 to vector<1024x1xi32>
    %and3A_14 = arith.andi %shift_right_logical3A_11, %and3A_13 : vector<1024x1xi32>
    %get3A_15 = arith.constant 0 : index
    %get3A_16 = arith.constant 0 : index
    %get3A_17 = vector.load %arg2[%get3A_15, %get3A_16] : memref<1024x128xf32, #tpu.memory_space<vmem>>, vector<1024x128xf32>
    %get3A_18 = arith.constant 0 : index
    %get3A_19 = arith.constant 0 : index
    %get3A_20 = vector.load %arg3[%get3A_18, %get3A_19] : memref<1024x128xf32, #tpu.memory_space<vmem>>, vector<1024x128xf32>
    %eq3A = arith.constant 0 : i32
    %eq3A_21 = vector.broadcast %eq3A : i32 to vector<1024x1xi32>
    %eq3A_22 = arith.cmpi eq, %and3A_5, %eq3A_21 : vector<1024x1xi32>
    %convert_element_type3A = arith.extui %eq3A_22 : vector<1024x1xi1> to vector<1024x1xi32>
    %convert_element_type3A_23 = arith.sitofp %convert_element_type3A : vector<1024x1xi32> to vector<1024x1xf32>
    %slice3A = vector.extract_strided_slice %get3A_17 {offsets = [0, 0], sizes = [1024, 32], strides = [1, 1]} : vector<1024x128xf32> to vector<1024x32xf32>
    %mul3A = vector.broadcast %convert_element_type3A_23 : vector<1024x1xf32> to vector<1024x32xf32>
    %mul3A_24 = arith.mulf %mul3A, %slice3A : vector<1024x32xf32>
    %eq3A_25 = arith.constant 0 : i32
    %eq3A_26 = vector.broadcast %eq3A_25 : i32 to vector<1024x1xi32>
    %eq3A_27 = arith.cmpi eq, %and3A_14, %eq3A_26 : vector<1024x1xi32>
    %convert_element_type3A_28 = arith.extui %eq3A_27 : vector<1024x1xi1> to vector<1024x1xi32>
    %convert_element_type3A_29 = arith.sitofp %convert_element_type3A_28 : vector<1024x1xi32> to vector<1024x1xf32>
    %slice3A_30 = vector.extract_strided_slice %get3A_20 {offsets = [0, 0], sizes = [1024, 32], strides = [1, 1]} : vector<1024x128xf32> to vector<1024x32xf32>
    %mul3A_31 = vector.broadcast %convert_element_type3A_29 : vector<1024x1xf32> to vector<1024x32xf32>
    %mul3A_32 = arith.mulf %mul3A_31, %slice3A_30 : vector<1024x32xf32>
    %eq3A_33 = arith.constant 1 : i32
    %eq3A_34 = vector.broadcast %eq3A_33 : i32 to vector<1024x1xi32>
    %eq3A_35 = arith.cmpi eq, %and3A_5, %eq3A_34 : vector<1024x1xi32>
    %convert_element_type3A_36 = arith.extui %eq3A_35 : vector<1024x1xi1> to vector<1024x1xi32>
    %convert_element_type3A_37 = arith.sitofp %convert_element_type3A_36 : vector<1024x1xi32> to vector<1024x1xf32>
    %slice3A_38 = vector.extract_strided_slice %get3A_17 {offsets = [0, 32], sizes = [1024, 32], strides = [1, 1]} : vector<1024x128xf32> to vector<1024x32xf32>
    %mul3A_39 = vector.broadcast %convert_element_type3A_37 : vector<1024x1xf32> to vector<1024x32xf32>
    %mul3A_40 = arith.mulf %mul3A_39, %slice3A_38 : vector<1024x32xf32>
    %add3A = arith.addf %mul3A_24, %mul3A_40 : vector<1024x32xf32>
    %eq3A_41 = arith.constant 1 : i32
    %eq3A_42 = vector.broadcast %eq3A_41 : i32 to vector<1024x1xi32>
    %eq3A_43 = arith.cmpi eq, %and3A_14, %eq3A_42 : vector<1024x1xi32>
    %convert_element_type3A_44 = arith.extui %eq3A_43 : vector<1024x1xi1> to vector<1024x1xi32>
    %convert_element_type3A_45 = arith.sitofp %convert_element_type3A_44 : vector<1024x1xi32> to vector<1024x1xf32>
    %slice3A_46 = vector.extract_strided_slice %get3A_20 {offsets = [0, 32], sizes = [1024, 32], strides = [1, 1]} : vector<1024x128xf32> to vector<1024x32xf32>
    %mul3A_47 = vector.broadcast %convert_element_type3A_45 : vector<1024x1xf32> to vector<1024x32xf32>
    %mul3A_48 = arith.mulf %mul3A_47, %slice3A_46 : vector<1024x32xf32>
    %add3A_49 = arith.addf %mul3A_32, %mul3A_48 : vector<1024x32xf32>
    %eq3A_50 = arith.constant 2 : i32
    %eq3A_51 = vector.broadcast %eq3A_50 : i32 to vector<1024x1xi32>
    %eq3A_52 = arith.cmpi eq, %and3A_5, %eq3A_51 : vector<1024x1xi32>
    %convert_element_type3A_53 = arith.extui %eq3A_52 : vector<1024x1xi1> to vector<1024x1xi32>
    %convert_element_type3A_54 = arith.sitofp %convert_element_type3A_53 : vector<1024x1xi32> to vector<1024x1xf32>
    %slice3A_55 = vector.extract_strided_slice %get3A_17 {offsets = [0, 64], sizes = [1024, 32], strides = [1, 1]} : vector<1024x128xf32> to vector<1024x32xf32>
    %mul3A_56 = vector.broadcast %convert_element_type3A_54 : vector<1024x1xf32> to vector<1024x32xf32>
    %mul3A_57 = arith.mulf %mul3A_56, %slice3A_55 : vector<1024x32xf32>
    %add3A_58 = arith.addf %add3A, %mul3A_57 : vector<1024x32xf32>
    %eq3A_59 = arith.constant 2 : i32
    %eq3A_60 = vector.broadcast %eq3A_59 : i32 to vector<1024x1xi32>
    %eq3A_61 = arith.cmpi eq, %and3A_14, %eq3A_60 : vector<1024x1xi32>
    %convert_element_type3A_62 = arith.extui %eq3A_61 : vector<1024x1xi1> to vector<1024x1xi32>
    %convert_element_type3A_63 = arith.sitofp %convert_element_type3A_62 : vector<1024x1xi32> to vector<1024x1xf32>
    %slice3A_64 = vector.extract_strided_slice %get3A_20 {offsets = [0, 64], sizes = [1024, 32], strides = [1, 1]} : vector<1024x128xf32> to vector<1024x32xf32>
    %mul3A_65 = vector.broadcast %convert_element_type3A_63 : vector<1024x1xf32> to vector<1024x32xf32>
    %mul3A_66 = arith.mulf %mul3A_65, %slice3A_64 : vector<1024x32xf32>
    %add3A_67 = arith.addf %add3A_49, %mul3A_66 : vector<1024x32xf32>
    %eq3A_68 = arith.constant 3 : i32
    %eq3A_69 = vector.broadcast %eq3A_68 : i32 to vector<1024x1xi32>
    %eq3A_70 = arith.cmpi eq, %and3A_5, %eq3A_69 : vector<1024x1xi32>
    %convert_element_type3A_71 = arith.extui %eq3A_70 : vector<1024x1xi1> to vector<1024x1xi32>
    %convert_element_type3A_72 = arith.sitofp %convert_element_type3A_71 : vector<1024x1xi32> to vector<1024x1xf32>
    %slice3A_73 = vector.extract_strided_slice %get3A_17 {offsets = [0, 96], sizes = [1024, 32], strides = [1, 1]} : vector<1024x128xf32> to vector<1024x32xf32>
    %mul3A_74 = vector.broadcast %convert_element_type3A_72 : vector<1024x1xf32> to vector<1024x32xf32>
    %mul3A_75 = arith.mulf %mul3A_74, %slice3A_73 : vector<1024x32xf32>
    %add3A_76 = arith.addf %add3A_58, %mul3A_75 : vector<1024x32xf32>
    %eq3A_77 = arith.constant 3 : i32
    %eq3A_78 = vector.broadcast %eq3A_77 : i32 to vector<1024x1xi32>
    %eq3A_79 = arith.cmpi eq, %and3A_14, %eq3A_78 : vector<1024x1xi32>
    %convert_element_type3A_80 = arith.extui %eq3A_79 : vector<1024x1xi1> to vector<1024x1xi32>
    %convert_element_type3A_81 = arith.sitofp %convert_element_type3A_80 : vector<1024x1xi32> to vector<1024x1xf32>
    %slice3A_82 = vector.extract_strided_slice %get3A_20 {offsets = [0, 96], sizes = [1024, 32], strides = [1, 1]} : vector<1024x128xf32> to vector<1024x32xf32>
    %mul3A_83 = vector.broadcast %convert_element_type3A_81 : vector<1024x1xf32> to vector<1024x32xf32>
    %mul3A_84 = arith.mulf %mul3A_83, %slice3A_82 : vector<1024x32xf32>
    %add3A_85 = arith.addf %add3A_67, %mul3A_84 : vector<1024x32xf32>
    %get3A_86 = arith.constant 0 : index
    %get3A_87 = arith.constant 0 : index
    %get3A_88 = vector.load %arg4[%get3A_86, %get3A_87] : memref<32x64xf32, #tpu.memory_space<vmem>>, vector<32x64xf32>
    %dot_general3A = arith.constant dense<0.000000e+00> : vector<1024x64xf32>
    %dot_general3A_89 = tpu.matmul %add3A_76, %get3A_88, %dot_general3A {dimension_numbers = #tpu.dot_dimension_numbers<[1], [0], [0], [1], [0, 0, 1, 1], [], []>, transpose_lhs_hint = false} : vector<1024x32xf32>, vector<32x64xf32>, vector<1024x64xf32> -> vector<1024x64xf32>
    %get3A_90 = arith.constant 0 : index
    %get3A_91 = arith.constant 0 : index
    %get3A_92 = vector.load %arg5[%get3A_90, %get3A_91] : memref<32x64xf32, #tpu.memory_space<vmem>>, vector<32x64xf32>
    %dot_general3A_93 = arith.constant dense<0.000000e+00> : vector<1024x64xf32>
    %dot_general3A_94 = tpu.matmul %add3A_85, %get3A_92, %dot_general3A_93 {dimension_numbers = #tpu.dot_dimension_numbers<[1], [0], [0], [1], [0, 0, 1, 1], [], []>, transpose_lhs_hint = false} : vector<1024x32xf32>, vector<32x64xf32>, vector<1024x64xf32> -> vector<1024x64xf32>
    %add3A_95 = arith.addf %dot_general3A_89, %dot_general3A_94 : vector<1024x64xf32>
    %get3A_96 = arith.constant 0 : index
    %get3A_97 = arith.constant 0 : index
    %get3A_98 = vector.load %arg6[%get3A_96, %get3A_97] : memref<1x64xf32, #tpu.memory_space<vmem>>, vector<1x64xf32>
    %add3A_99 = vector.broadcast %get3A_98 : vector<1x64xf32> to vector<1024x64xf32>
    %add3A_100 = arith.addf %add3A_95, %add3A_99 : vector<1024x64xf32>
    %max3A = arith.constant 0.000000e+00 : f32
    %max3A_101 = vector.broadcast %max3A : f32 to vector<1024x64xf32>
    %max3A_102 = arith.maximumf %add3A_100, %max3A_101 : vector<1024x64xf32>
    %get3A_103 = arith.constant 0 : index
    %get3A_104 = arith.constant 0 : index
    %get3A_105 = vector.load %arg7[%get3A_103, %get3A_104] : memref<1x64xf32, #tpu.memory_space<vmem>>, vector<1x64xf32>
    %mul3A_106 = vector.broadcast %get3A_105 : vector<1x64xf32> to vector<1024x64xf32>
    %mul3A_107 = arith.mulf %max3A_102, %mul3A_106 : vector<1024x64xf32>
    %reduce_sum3A = arith.constant dense<0.000000e+00> : vector<1024xf32>
    %reduce_sum3A_108 = vector.multi_reduction <add>, %mul3A_107, %reduce_sum3A [1] : vector<1024x64xf32> to vector<1024xf32>
    %broadcast_in_dim3A = vector.shape_cast %reduce_sum3A_108 : vector<1024xf32> to vector<1024x1xf32>
    %get3A_109 = arith.constant 0 : index
    %get3A_110 = arith.constant 0 : index
    %get3A_111 = vector.load %arg8[%get3A_109, %get3A_110] : memref<1x1xf32, #tpu.memory_space<vmem>>, vector<1x1xf32>
    %add3A_112 = vector.broadcast %get3A_111 : vector<1x1xf32> to vector<1024x1xf32>
    %add3A_113 = arith.addf %broadcast_in_dim3A, %add3A_112 : vector<1024x1xf32>
    %swap3A = arith.constant 0 : index
    %swap3A_114 = arith.constant 0 : index
    %swap3A_115 = vector.load %arg9[%swap3A, %swap3A_114] : memref<1024x1xf32, #tpu.memory_space<vmem>>, vector<1024x1xf32>
    tpu.vector_store %arg9[%swap3A, %swap3A_114], %add3A_113 {strides = array<i32>} : memref<1024x1xf32, #tpu.memory_space<vmem>>, vector<1024x1xf32>,
    return
  }
  func.func @transform_0(%arg0: i32) -> (i32, i32) {
    %c0_i32 = arith.constant 0 : i32
    %c0_i32_0 = arith.constant 0 : i32
    return %arg0, %c0_i32 : i32, i32
  }
  func.func @transform_1(%arg0: i32) -> (i32, i32) {
    %c0_i32 = arith.constant 0 : i32
    %c0_i32_0 = arith.constant 0 : i32
    return %arg0, %c0_i32 : i32, i32
  }
  func.func @transform_2(%arg0: i32) -> (i32, i32) {
    %c0_i32 = arith.constant 0 : i32
    %c0_i32_0 = arith.constant 0 : i32
    return %arg0, %c0_i32 : i32, i32
  }
  func.func @transform_3(%arg0: i32) -> (i32, i32) {
    %c0_i32 = arith.constant 0 : i32
    %c0_i32_0 = arith.constant 0 : i32
    %c0_i32_1 = arith.constant 0 : i32
    return %c0_i32, %c0_i32_0 : i32, i32
  }
  func.func @transform_4(%arg0: i32) -> (i32, i32) {
    %c0_i32 = arith.constant 0 : i32
    %c0_i32_0 = arith.constant 0 : i32
    %c0_i32_1 = arith.constant 0 : i32
    return %c0_i32, %c0_i32_0 : i32, i32
  }
  func.func @transform_5(%arg0: i32) -> (i32, i32) {
    %c0_i32 = arith.constant 0 : i32
    %c0_i32_0 = arith.constant 0 : i32
    %c0_i32_1 = arith.constant 0 : i32
    return %c0_i32, %c0_i32_0 : i32, i32
  }
  func.func @transform_6(%arg0: i32) -> (i32, i32) {
    %c0_i32 = arith.constant 0 : i32
    %c0_i32_0 = arith.constant 0 : i32
    %c0_i32_1 = arith.constant 0 : i32
    return %c0_i32, %c0_i32_0 : i32, i32
  }
  func.func @transform_7(%arg0: i32) -> (i32, i32) {
    %c0_i32 = arith.constant 0 : i32
    %c0_i32_0 = arith.constant 0 : i32
    %c0_i32_1 = arith.constant 0 : i32
    return %c0_i32, %c0_i32_0 : i32, i32
  }
  func.func @transform_8(%arg0: i32) -> (i32, i32) {
    %c0_i32 = arith.constant 0 : i32
    %c0_i32_0 = arith.constant 0 : i32
    return %arg0, %c0_i32 : i32, i32
  }
}

</mosaic_0001>

<sc_bundles>
// kernel: kernel.10.cloned.1.call-start
scs
__scs_entry_jumppad:
0x0: {  	(pc) =	sbr.rel $0x88, $3  }
0x1: {  	(tag) =	ssettag $0x0;
	lr =	simm.s32 $0x1  }
0x2: {  	[smem:$0x3F99] =	sst lr;
	_ =	strace $0xD0000000  }
0x3: {  	_ = 	snop  }
0x4: {  	_ = 	snop  }
0x5: {  	_ = 	snop  }
0x6: {  	_ = 	snop  }
0x7: {  	_ = 	snop  }
__scs_overlays_trampoline_lowered:
0x8: {  	[smem:$0x3FA8] =	sst s0  }
0x9: {  	[smem:$0x3FA9] =	sst s1  }
0xa: {  	[smem:$0x3FAA] =	sst s2  }
0xb: {  	[smem:$0x3FAB] =	sst s3  }
0xc: {  	[smem:$0x3FAC] =	sst s4  }
0xd: {  	[smem:$0x3FAD] =	sst s5  }
0xe: {  	[smem:$0x3FAE] =	sst s6  }
0xf: {  	[smem:$0x3FAF] =	sst s7  }
0x10: {  	[smem:$0x3FB0] =	sst s8  }
0x11: {  	[smem:$0x3FB1] =	sst s9;
	s0 =	simm.s32 @!p0 $0x0  }
0x12: {  	s1 =	sld [smem:$0x3F97];
	s0 =	simm.s32 @p0 $0x1  }
0x13: {  	[smem:$0x3FB2] =	sst s0;
	s0 =	simm.s32 @!p1 $0x0  }
0x14: {  	s2 =	sld [smem:$0x3F96];
	s0 =	simm.s32 @p1 $0x1  }
0x15: {  	[smem:$0x3FB3] =	sst s0;
	s0 =	simm.s32 @!p2 $0x0  }
0x16: {  	s3 =	sld [smem:$0x3FDB];
	s0 =	simm.s32 @p2 $0x1  }
0x17: {  	s4 =	simm.s32 $0x1BF5;
	[smem:$0x3FB5] =	sst s0  }
0x18: {  	s0 =	sld [smem:$0x3F98];
	_ =	swait.ge [sflag:s4], $0x0  }
0x19: {  	s7 =	sld [smem:$0x3F99]  }
0x1a: {  	s8 =	sadd.s32 $0xFFFFE003, lr  }
0x1b: {  	s9 =	sadd.s32 $0xFFFFFEF7, lr;
	s5 =	simm.s32 $0xFFFFFFFF;
	p2 =	slt.u32 s8, $0xFFFFF086  }
0x1c: {  	p1 =	slt.u32 s9, $0xF7A;
	s5 =	simm.s32 @!p2 $0x0  }
0x1d: {  	s5 =	simm.s32 @p1 $0x1;
	p0 =	seq.s32 s7, s2  }
0x1e: {  	s7 =	smul.u32 @!p0 $0xF7A, s2;
	p2 =	seq.s32 @!p0 s5, $0x0  }
0x1f: {  	s9 =	smul.u32 $0xF7A, s1;
	s8 =	simm.s32 @!p0 $0x1BF5;
	p2 =	por !p2, p0  }
0x20: {  	[sflag:s8] =	ssyncset.s32 @!p0 $0xFFFFF086;
	s6 =	sadd.s32 @!p0 s3, s7;
	s7 =	simm.s32 @!p0 $0x108  }
0x21: {  	s3 =	sadd.s32 s3, s9;
	s6 =	sadd.s32 @!p0 $0x88, s6;
	s7 =	simm.s32 @p2 $0x1082  }
0x22: {  	[simem:s7], [sflag:s8] =	dma.local @!p0 [hbm:s6], $0xF7A  }
0x23: {  	s9 =	sor.u32 $0xD0000000, s2;
	s6 =	simm.s32 $0x108;
	_ =	swait.ge @!p0 [sflag:s8], $0x0  }
0x24: {  	s3 =	sadd.s32 $0x88, s3;
	s6 =	simm.s32 @!p1 $0x1082;
	[sflag:s4] =	ssyncset.s32 $0xFFFFF086  }
0x25: {  	[simem:s6], [sflag:s4] =	dma.local [hbm:s3], $0xF7A  }
0x26: {  	[smem:$0x3F99] =	sst s1;
	(tag) =	ssettag s2;
	_ =	strace s9  }
0x27: {  	s1 =	sld [smem:$0x3FA9]  }
0x28: {  	s2 =	sld [smem:$0x3FAA]  }
0x29: {  	s4 =	sld [smem:$0x3FAC]  }
0x2a: {  	p0 =	seq.s32 s5, $0x0;
	s5 =	sld [smem:$0x3FAD]  }
0x2b: {  	s6 =	sld [smem:$0x3FAE]  }
0x2c: {  	s7 =	sld [smem:$0x3FAF]  }
0x2d: {  	s3 =	simm.s32 $0x108;
	s8 =	sld [smem:$0x3FB0]  }
0x2e: {  	s3 =	simm.s32 @!p0 $0x1082;
	s9 =	sld [smem:$0x3FB1]  }
0x2f: {  	lr =	sadd.s32 s0, s3;
	s0 =	sld [smem:$0x3FA8]  }
0x30: {  	s3 =	sld [smem:$0x3FAB]  }
0x31: {  	[smem:$0x3FB4] =	sst s10  }
0x32: {  	s10 =	sld [smem:$0x3FB2];
	_ =	sdelay $0x3  }
0x33: {  	p0 =	seq.s32 s10, $0x1;
	s10 =	sld [smem:$0x3FB4];
	_ =	sdelay $0x3  }
0x34: {  	[smem:$0x3FB4] =	sst s10  }
0x35: {  	s10 =	sld [smem:$0x3FB3];
	_ =	sdelay $0x3  }
0x36: {  	p1 =	seq.s32 s10, $0x1;
	s10 =	sld [smem:$0x3FB4];
	_ =	sdelay $0x3  }
0x37: {  	[smem:$0x3FB4] =	sst s10  }
0x38: {  	s10 =	sld [smem:$0x3FB5]  }
0x39: {  	_ = 	snop;
	(pc) =	sbr.ind lr, $3  }
0x3a: {  	_ = 	snop  }
0x3b: {  	_ = 	snop  }
0x3c: {  	p2 =	seq.s32 s10, $0x1;
	s10 =	sld [smem:$0x3FB4]  }
0x3d: {  	_ =	shalt  }
0x3e: {  	_ =	shalt  }
0x3f: {  	_ =	shalt  }
0x40: {  	_ =	shalt  }
0x41: {  	_ =	shalt  }
0x42: {  	_ =	shalt  }
0x43: {  	_ =	shalt  }
0x44: {  	_ =	shalt  }
0x45: {  	_ =	shalt  }
0x46: {  	_ =	shalt  }
0x47: {  	_ =	shalt  }
0x48: {  	_ =	shalt  }
0x49: {  	_ =	shalt  }
0x4a: {  	_ =	shalt  }
0x4b: {  	_ =	shalt  }
0x4c: {  	_ =	shalt  }
0x4d: {  	_ =	shalt  }
0x4e: {  	_ =	shalt  }
0x4f: {  	_ =	shalt  }
0x50: {  	_ =	shalt  }
0x51: {  	_ =	shalt  }
0x52: {  	_ =	shalt  }
0x53: {  	_ =	shalt  }
0x54: {  	_ =	shalt  }
0x55: {  	_ =	shalt  }
0x56: {  	_ =	shalt  }
0x57: {  	_ =	shalt  }
0x58: {  	_ =	shalt  }
0x59: {  	_ =	shalt  }
0x5a: {  	_ =	shalt  }
0x5b: {  	_ =	shalt  }
0x5c: {  	_ =	shalt  }
0x5d: {  	_ =	shalt  }
0x5e: {  	_ =	shalt  }
0x5f: {  	_ =	shalt  }
0x60: {  	_ =	shalt  }
0x61: {  	_ =	shalt  }
0x62: {  	_ =	shalt  }
0x63: {  	_ =	shalt  }
0x64: {  	_ =	shalt  }
0x65: {  	_ =	shalt  }
0x66: {  	_ =	shalt  }
0x67: {  	_ =	shalt  }
0x68: {  	_ =	shalt  }
0x69: {  	_ =	shalt  }
0x6a: {  	_ =	shalt  }
0x6b: {  	_ =	shalt  }
0x6c: {  	_ =	shalt  }
0x6d: {  	_ =	shalt  }
0x6e: {  	_ =	shalt  }
0x6f: {  	_ =	shalt  }
0x70: {  	_ =	shalt  }
0x71: {  	_ =	shalt  }
0x72: {  	_ =	shalt  }
0x73: {  	_ =	shalt  }
0x74: {  	_ =	shalt  }
0x75: {  	_ =	shalt  }
0x76: {  	_ =	shalt  }
0x77: {  	_ =	shalt  }
0x78: {  	_ =	shalt  }
0x79: {  	_ =	shalt  }
0x7a: {  	_ =	shalt  }
0x7b: {  	_ =	shalt  }
0x7c: {  	_ =	shalt  }
0x7d: {  	_ =	shalt  }
0x7e: {  	_ =	shalt  }
0x7f: {  	_ =	shalt  }
0x80: {  	_ =	shalt  }
0x81: {  	_ =	shalt  }
0x82: {  	_ =	shalt  }
0x83: {  	_ =	shalt  }
0x84: {  	_ =	shalt  }
0x85: {  	_ =	shalt  }
0x86: {  	_ =	shalt  }
0x87: {  	_ =	shalt  }
.Lfunc_end0:
.L_simem_size_0:
called_computation.1_lowered:
.L_overlay_start_0:
0x88: {  	s2 =	sld [smem:$0x3FD9]  }
0x89: {  	s3 =	sld [smem:$0x3FFE];
	_ =	sdelay $0x1  }
0x8a: {  	s1 =	srdreg.scid  }
0x8b: {  	s0 =	sand.u32 $0x1, s1  }
0x8c: {  	s17 =	sshll.u32 s0, $0xA;
	s2 =	sadd.s32 s3, s2  }
0x8d: {  	s2 =	sadd.s32 s2, s17  }
0x8e: {  	[smem:$0x3FC0] =	sst s2  }
0x8f: {  	_ = 	snop  }
0x90: {  	s2 =	sld [smem:$0x3FC8];
	(tm) =	ssettm $0x1  }
0x91: {  	s18 =	sld [smem:$0x3FFB];
	_ =	sdelay $0x3  }
0x92: {  	_ =	strace s18  }
0x93: {  	s3 =	sld [smem:$0x3FFC];
	_ =	sdelay $0x3  }
0x94: {  	_ =	strace s3  }
0x95: {  	s3 =	sld [smem:$0x3FFD];
	_ =	sdelay $0x3  }
0x96: {  	_ =	strace s3  }
0x97: {  	_ =	strace $0x8FFFFFFF  }
0x98: {  	s19 =	sld [smem:$0x3FDB];
	_ =	sdelay $0x1  }
0x99: {  	s4 =	simm.s32 $_scs_section_size  }
0x9a: {  	s5 =	simm.s32 $_size__tile_overlayer_lowered;
	s6 =	simm.s32 $_tile_overlayer_lowered  }
0x9b: {  	s22 =	simm.s32 $0x1BFF;
	s21 =	sshll.u32 s6, $0x1;
	s3 =	sadd.s32 s4, s19  }
0x9c: {  	s7 =	simm.s32 $0x0;
	s20 =	sshll.u32 s5, $0x1;
	s5 =	sadd.s32 s21, s3  }
0x9d: {  	[timem:s7], [sflag:s22] =	dma.local [hbm:s5], s20  }
0x9e: {  	_ =	swait.ge [sflag:s22], s20  }
0x9f: {  	s4 =	ssub.s32 $0x0, s20;
	[sflag:s22] =	ssyncset.done $0x0  }
0xa0: {  	[sflag:s22] =	ssyncadd.s32 s4;
	_ =	sdelay $0x1  }
0xa1: {  	s23 =	simm.s32 $0x1B8B  }
0xa2: {  	_ =	swait.ge [sflag:s23], $0x1  }
0xa3: {  	[sflag:s23] =	ssyncset.done $0x0  }
0xa4: {  	s25 =	simm.s32 $0x1B8E;
	s24 =	sld [smem:$0x3FFE];
	[sflag:s23] =	ssyncadd.s32 $0xFFFFFFFF  }
0xa5: {  	s26 =	simm.s32 $execute0_lowered;
	[smem:$0x3FD2] =	sst s25  }
0xa6: {  	s5 =	sshll.u32 s26, $0x1;
	_ =	strace $0x80000046;
	[dreg:$0x1] =	wrdreg $0xFFFFFFFF  }
0xa7: {  	s28 =	simm.s32 $_size_execute0_lowered;
	s3 =	sadd.s32 s3, s5;
	[dreg:$0x0] =	wrdreg $0x0  }
0xa8: {  	s5 =	sshll.u32 s28, $0x1;
	[dreg:$0x2] =	wrdreg s3  }
0xa9: {  	[dreg:$0x3] =	wrdreg s5  }
0xaa: {  	[dreg:$0x4] =	wrdreg $0xC0  }
0xab: {  	_ =	task [dreg:s7], $0x5FFFF  }
0xac: {  	[dreg:$0x1] =	wrdreg $0xFFFFFFFF  }
0xad: {  	[dreg:$0x0] =	wrdreg $0x60  }
0xae: {  	[dreg:$0x2] =	wrdreg s2  }
0xaf: {  	[dreg:$0x3] =	wrdreg s24  }
0xb0: {  	[dreg:$0x4] =	wrdreg $0xA  }
0xb1: {  	_ =	task.clear_ibuf [dreg:s7], $0x5FFFF;
	_ =	strace $0x90000046  }
0xb2: {  	s29 =	simm.s32 $0xA;
	_ =	strace $0x80000048  }
0xb3: {  	_ =	swait.ge [sflag:s29], $0x1  }
0xb4: {  	[sflag:s29] =	ssyncadd.s32 $0xFFFFFFFF  }
0xb5: {  	_ =	strace $0x90000048  }
0xb6: {  	_ =	sfence  }
0xb7: {  	s30 =	sld [smem:$0x0];
	_ =	sdelay $0x2  }
0xb8: {  	s31 =	sshll.u32 s1, $0xD;
	s1 =	sshrl.u32 s1, $0x2  }
0xb9: {  	s3 =	sand.u32 $0x4000, s31;
	s1 =	sadd.s32 s1, s30  }
0xba: {  	s0 =	sor.u32 s3, s0;
	s1 =	sshll.u32 s1, $0x11  }
0xbb: {  	s0 =	sor.u32 s1, s0  }
0xbc: {  	s0 =	sadd.s32 $0x8F2B, s0  }
0xbd: {  	[sflag:s0] =	ssyncadd.remote.s32 $0x1  }
0xbe: {  	_ =	sfence.sel $0xFFFF  }
0xbf: {  	[dreg:$0x0] =	wrdreg $0xFFFFFFFF;
	(pc) =	sbr.abs _section_cstart, $3  }
0xc0: {  	[dreg:$0x1] =	wrdreg $0xFFFFFFFF  }
0xc1: {  	_ =	task.clear_ibuf [dreg:s7], $0x2FFFF;
	_ =	strace $0x9FFFFFFF  }
0xc2: {  	(tm) =	ssettm $0x7FFFFFFF  }
0xc3: {  	_ =	shalt  }
tec
execute0_lowered:
.L_overlay_start_1:
0x0: {  	(tag) =	ssettag $0x1  }
0x1: {  	s4 =	rddreg [dreg:$0x0]  }
0x2: {  	s5 =	rddreg [dreg:$0x1]  }
0x3: {  	s0 =	rddreg [dreg:$0x2]  }
0x4: {  	s3 =	srdreg.scid;
	s2 =	simm.s32 $0x0;
	s1 =	stileid.u32  }
0x5: {  	s9 =	simm.s32 $0x400;
	s10 =	simm.s32 $0x1;
	s11 =	simm.s32 $0x0  }
0x6: {  	s6 =	sand.u32 $0x1, s3;
	[smem:$0x7FF] =	sst s2;
	s30 =	sshll.u32 s1, $0xA  }
0x7: {  	s3 =	sadd.s32 $0x1400, s5;
	s7 =	sshll.u32 s6, $0x9;
	s6 =	ssub.s32 $0x2, s6  }
0x8: {  	_ =	strace $0x80000047;
	s7 =	sor.u32 s7, s30;
	s31 =	sshrl.u32 s6, $0x1  }
0x9: {  	s8 =	sshll.u32 s7, $0x4;
	s7 =	sshrl.u32 s7, $0x3;
	s6 =	ssub.s32 s6, s31  }
0xa: {  	s5 =	sadd.s32 s8, s5;
	s4 =	sadd.s32 s4, s7;
	s6 =	smax.u32 s6, $0x1  }
0xb: {  	s7 =	simm.s32 $0x2;
	s8 =	simm.s32 $0x200;
	s5 =	sadd.s32 $0x3E1400, s5  }
.LBB2_1:
0xc: {  	[tilespmem:s2], [sflag:$0x2] =	stream.linear.gather [hbm4b:s4+s2], $0x200, $0x38;
	[tilespmem:$0x10400] =	vst v63  }
0xd: {  	_ =	swait.ge [sflag:s7], $0x200  }
0xe: {  	[sflag:s7] =	ssyncset.done $0x0  }
0xf: {  	s12 =	simm.s32 $0x0;
	[sflag:s7] =	ssyncadd.s32 $0xFFFFFE00  }
0x10: {  	s13 =	simm.s32 $0x40;
	v0 =	vld [tilespmem:s12+$0x0]  }
.LBB2_2:
0x11: {  	_ =	sdelay $0x1  }
0x12: {  	p0 =	sne.s32 s13, $0x7C0  }
.Ltmp0:
0x13: {  	_ = 	snop;
	(pc) =	sbr.rel @p0 .LBB2_2-.Ltmp0, $4  }
0x14: {  	v1 =	vshrl.u32 v0, $0x2  }
0x15: {  	v2 =	vand.u32 $0x1FFF, v0;
	v1 =	vand.u32 $0x3FFFE000, v1  }
0x16: {  	s14 =	sshra.s32 s13, $0x2;
	v1 =	vor.u32 v2, v1  }
0x17: {  	s13 =	sadd.s32 $0x40, s13;
	v0 =	vld [tilespmem:s14+$0x0];
	[tilespmem:s12+$0x200] =	vst v1;
	s12 =	smov.u32 s14  }
0x18: {  	_ =	sdelay $0x3  }
0x19: {  	v1 =	vshrl.u32 v0, $0x2  }
0x1a: {  	v63 =	vand.u32 $0x1FFF, v0;
	v1 =	vand.u32 $0x3FFFE000, v1  }
0x1b: {  	v0 =	vor.u32 v63, v1  }
0x1c: {  	[tilespmem:s12+$0x200] =	vst v0  }
0x1d: {  	[tilespmem:s9], [sflag:$0x1] =	stream.indirect.gather [hbm4b:s3+s8], $0x80, s8, s8, $0xb8;
	[tilespmem:$0x10400] =	vst v63  }
0x1e: {  	s11 =	sadd.s32 $0x1, s11;
	_ =	swait.ge [sflag:s10], $0x10000  }
0x1f: {  	p0 =	sne.s32 s11, s6;
	[sflag:s10] =	ssyncset.done $0x0  }
.Ltmp1:
0x20: {  	[sflag:s10] =	ssyncadd.s32 $0xFFFF0000;
	(pc) =	sbr.rel @p0 .LBB2_1-.Ltmp1, $4  }
0x21: {  	[hbm4b:s5+s2] =	stream.linear.scatter [tilespmem:s9], [sflag:$0x2], $0x10000, $0x38;
	[tilespmem:$0x10400] =	vst v63  }
0x22: {  	_ =	swait.ge [sflag:s7], $0x10000  }
0x23: {  	[sflag:s7] =	ssyncset.done $0x0  }
0x24: {  	[sflag:s7] =	ssyncadd.s32 $0xFFFF0000  }
0x25: {  	_ =	sfence.sel $0x180000  }
0x26: {  	[bflag:$0x0] =	sbarrier.arrive $0xFFFF  }
0x27: {  	p0 =	sne.s32 s1, $0x0;
	_ =	strace $0x90000047  }
0x28: {  	s0 =	sadd.s32 @!p0 $0x100000, s0;
	[bflag:$0x2] =	sbarrier.arrive $0xFFFF  }
0x29: {  	[sflag:s0] =	ssyncadd.tile.s32 @!p0 $0x1;
	_ =	shalt  }
.Lfunc_end2:
_tile_overlayer_lowered:
.L_overlay_start_2:
0x2a: {  	(tag) =	ssettag $0x2  }
0x2b: {  	s0 =	rddreg [dreg:$0x0];
	s2 =	stileid.u32  }
0x2c: {  	s1 =	rddreg [dreg:$0x1];
	p0 =	sne.s32 s2, $0x0  }
0x2d: {  	s3 =	rddreg [dreg:$0x2];
	[bflag:$0x3] =	sbarrier.arrive $0xFFFF;
	s2 =	simm.s32 @!p0 $0x1C02  }
0x2e: {  	[timem:s3], [sflag:s2] =	dma.local @!p0 [hbm:s0], s1  }
0x2f: {  	s0 =	simm.s32 @!p0 $0x2  }
0x30: {  	_ =	swait.ge @!p0 [sflag:s0], s1  }
0x31: {  	s1 =	ssub.s32 @!p0 $0x0, s1;
	[sflag:s0] =	ssyncset.done @!p0 $0x0  }
0x32: {  	[sflag:s0] =	ssyncadd.s32 @!p0 s1  }
0x33: {  	[bflag:$0x3] =	sbarrier.arrive $0xFFFF  }
0x34: {  	_ =	shalt  }

// kernel: kernel.7.cloned.1.call-start
scs
__scs_entry_jumppad:
0x0: {  	(pc) =	sbr.rel $0x88, $3  }
0x1: {  	(tag) =	ssettag $0x0;
	lr =	simm.s32 $0x1  }
0x2: {  	[smem:$0x3F99] =	sst lr;
	_ =	strace $0xD0000000  }
0x3: {  	_ = 	snop  }
0x4: {  	_ = 	snop  }
0x5: {  	_ = 	snop  }
0x6: {  	_ = 	snop  }
0x7: {  	_ = 	snop  }
__scs_overlays_trampoline_lowered:
0x8: {  	[smem:$0x3FA8] =	sst s0  }
0x9: {  	[smem:$0x3FA9] =	sst s1  }
0xa: {  	[smem:$0x3FAA] =	sst s2  }
0xb: {  	[smem:$0x3FAB] =	sst s3  }
0xc: {  	[smem:$0x3FAC] =	sst s4  }
0xd: {  	[smem:$0x3FAD] =	sst s5  }
0xe: {  	[smem:$0x3FAE] =	sst s6  }
0xf: {  	[smem:$0x3FAF] =	sst s7  }
0x10: {  	[smem:$0x3FB0] =	sst s8  }
0x11: {  	[smem:$0x3FB1] =	sst s9;
	s0 =	simm.s32 @!p0 $0x0  }
0x12: {  	s1 =	sld [smem:$0x3F97];
	s0 =	simm.s32 @p0 $0x1  }
0x13: {  	[smem:$0x3FB2] =	sst s0;
	s0 =	simm.s32 @!p1 $0x0  }
0x14: {  	s2 =	sld [smem:$0x3F96];
	s0 =	simm.s32 @p1 $0x1  }
0x15: {  	[smem:$0x3FB3] =	sst s0;
	s0 =	simm.s32 @!p2 $0x0  }
0x16: {  	s3 =	sld [smem:$0x3FDB];
	s0 =	simm.s32 @p2 $0x1  }
0x17: {  	s4 =	simm.s32 $0x1BF5;
	[smem:$0x3FB5] =	sst s0  }
0x18: {  	s0 =	sld [smem:$0x3F98];
	_ =	swait.ge [sflag:s4], $0x0  }
0x19: {  	s7 =	sld [smem:$0x3F99]  }
0x1a: {  	s8 =	sadd.s32 $0xFFFFE003, lr  }
0x1b: {  	s9 =	sadd.s32 $0xFFFFFEF7, lr;
	s5 =	simm.s32 $0xFFFFFFFF;
	p2 =	slt.u32 s8, $0xFFFFF086  }
0x1c: {  	p1 =	slt.u32 s9, $0xF7A;
	s5 =	simm.s32 @!p2 $0x0  }
0x1d: {  	s5 =	simm.s32 @p1 $0x1;
	p0 =	seq.s32 s7, s2  }
0x1e: {  	s7 =	smul.u32 @!p0 $0xF7A, s2;
	p2 =	seq.s32 @!p0 s5, $0x0  }
0x1f: {  	s9 =	smul.u32 $0xF7A, s1;
	s8 =	simm.s32 @!p0 $0x1BF5;
	p2 =	por !p2, p0  }
0x20: {  	[sflag:s8] =	ssyncset.s32 @!p0 $0xFFFFF086;
	s6 =	sadd.s32 @!p0 s3, s7;
	s7 =	simm.s32 @!p0 $0x108  }
0x21: {  	s3 =	sadd.s32 s3, s9;
	s6 =	sadd.s32 @!p0 $0x88, s6;
	s7 =	simm.s32 @p2 $0x1082  }
0x22: {  	[simem:s7], [sflag:s8] =	dma.local @!p0 [hbm:s6], $0xF7A  }
0x23: {  	s9 =	sor.u32 $0xD0000000, s2;
	s6 =	simm.s32 $0x108;
	_ =	swait.ge @!p0 [sflag:s8], $0x0  }
0x24: {  	s3 =	sadd.s32 $0x88, s3;
	s6 =	simm.s32 @!p1 $0x1082;
	[sflag:s4] =	ssyncset.s32 $0xFFFFF086  }
0x25: {  	[simem:s6], [sflag:s4] =	dma.local [hbm:s3], $0xF7A  }
0x26: {  	[smem:$0x3F99] =	sst s1;
	(tag) =	ssettag s2;
	_ =	strace s9  }
0x27: {  	s1 =	sld [smem:$0x3FA9]  }
0x28: {  	s2 =	sld [smem:$0x3FAA]  }
0x29: {  	s4 =	sld [smem:$0x3FAC]  }
0x2a: {  	p0 =	seq.s32 s5, $0x0;
	s5 =	sld [smem:$0x3FAD]  }
0x2b: {  	s6 =	sld [smem:$0x3FAE]  }
0x2c: {  	s7 =	sld [smem:$0x3FAF]  }
0x2d: {  	s3 =	simm.s32 $0x108;
	s8 =	sld [smem:$0x3FB0]  }
0x2e: {  	s3 =	simm.s32 @!p0 $0x1082;
	s9 =	sld [smem:$0x3FB1]  }
0x2f: {  	lr =	sadd.s32 s0, s3;
	s0 =	sld [smem:$0x3FA8]  }
0x30: {  	s3 =	sld [smem:$0x3FAB]  }
0x31: {  	[smem:$0x3FB4] =	sst s10  }
0x32: {  	s10 =	sld [smem:$0x3FB2];
	_ =	sdelay $0x3  }
0x33: {  	p0 =	seq.s32 s10, $0x1;
	s10 =	sld [smem:$0x3FB4];
	_ =	sdelay $0x3  }
0x34: {  	[smem:$0x3FB4] =	sst s10  }
0x35: {  	s10 =	sld [smem:$0x3FB3];
	_ =	sdelay $0x3  }
0x36: {  	p1 =	seq.s32 s10, $0x1;
	s10 =	sld [smem:$0x3FB4];
	_ =	sdelay $0x3  }
0x37: {  	[smem:$0x3FB4] =	sst s10  }
0x38: {  	s10 =	sld [smem:$0x3FB5]  }
0x39: {  	_ = 	snop;
	(pc) =	sbr.ind lr, $3  }
0x3a: {  	_ = 	snop  }
0x3b: {  	_ = 	snop  }
0x3c: {  	p2 =	seq.s32 s10, $0x1;
	s10 =	sld [smem:$0x3FB4]  }
0x3d: {  	_ =	shalt  }
0x3e: {  	_ =	shalt  }
0x3f: {  	_ =	shalt  }
0x40: {  	_ =	shalt  }
0x41: {  	_ =	shalt  }
0x42: {  	_ =	shalt  }
0x43: {  	_ =	shalt  }
0x44: {  	_ =	shalt  }
0x45: {  	_ =	shalt  }
0x46: {  	_ =	shalt  }
0x47: {  	_ =	shalt  }
0x48: {  	_ =	shalt  }
0x49: {  	_ =	shalt  }
0x4a: {  	_ =	shalt  }
0x4b: {  	_ =	shalt  }
0x4c: {  	_ =	shalt  }
0x4d: {  	_ =	shalt  }
0x4e: {  	_ =	shalt  }
0x4f: {  	_ =	shalt  }
0x50: {  	_ =	shalt  }
0x51: {  	_ =	shalt  }
0x52: {  	_ =	shalt  }
0x53: {  	_ =	shalt  }
0x54: {  	_ =	shalt  }
0x55: {  	_ =	shalt  }
0x56: {  	_ =	shalt  }
0x57: {  	_ =	shalt  }
0x58: {  	_ =	shalt  }
0x59: {  	_ =	shalt  }
0x5a: {  	_ =	shalt  }
0x5b: {  	_ =	shalt  }
0x5c: {  	_ =	shalt  }
0x5d: {  	_ =	shalt  }
0x5e: {  	_ =	shalt  }
0x5f: {  	_ =	shalt  }
0x60: {  	_ =	shalt  }
0x61: {  	_ =	shalt  }
0x62: {  	_ =	shalt  }
0x63: {  	_ =	shalt  }
0x64: {  	_ =	shalt  }
0x65: {  	_ =	shalt  }
0x66: {  	_ =	shalt  }
0x67: {  	_ =	shalt  }
0x68: {  	_ =	shalt  }
0x69: {  	_ =	shalt  }
0x6a: {  	_ =	shalt  }
0x6b: {  	_ =	shalt  }
0x6c: {  	_ =	shalt  }
0x6d: {  	_ =	shalt  }
0x6e: {  	_ =	shalt  }
0x6f: {  	_ =	shalt  }
0x70: {  	_ =	shalt  }
0x71: {  	_ =	shalt  }
0x72: {  	_ =	shalt  }
0x73: {  	_ =	shalt  }
0x74: {  	_ =	shalt  }
0x75: {  	_ =	shalt  }
0x76: {  	_ =	shalt  }
0x77: {  	_ =	shalt  }
0x78: {  	_ =	shalt  }
0x79: {  	_ =	shalt  }
0x7a: {  	_ =	shalt  }
0x7b: {  	_ =	shalt  }
0x7c: {  	_ =	shalt  }
0x7d: {  	_ =	shalt  }
0x7e: {  	_ =	shalt  }
0x7f: {  	_ =	shalt  }
0x80: {  	_ =	shalt  }
0x81: {  	_ =	shalt  }
0x82: {  	_ =	shalt  }
0x83: {  	_ =	shalt  }
0x84: {  	_ =	shalt  }
0x85: {  	_ =	shalt  }
0x86: {  	_ =	shalt  }
0x87: {  	_ =	shalt  }
.Lfunc_end0:
.L_simem_size_0:
called_computation_lowered:
.L_overlay_start_0:
0x88: {  	s2 =	sld [smem:$0x3FD9]  }
0x89: {  	s3 =	sld [smem:$0x3FFE];
	_ =	sdelay $0x1  }
0x8a: {  	s1 =	srdreg.scid  }
0x8b: {  	s0 =	sand.u32 $0x1, s1  }
0x8c: {  	s17 =	sshll.u32 s0, $0xA;
	s2 =	sadd.s32 s3, s2  }
0x8d: {  	s2 =	sadd.s32 s2, s17  }
0x8e: {  	[smem:$0x3FC0] =	sst s2  }
0x8f: {  	_ = 	snop  }
0x90: {  	s18 =	sld [smem:$0x3FC9];
	(tm) =	ssettm $0x1  }
0x91: {  	s19 =	sld [smem:$0x3FFB];
	_ =	sdelay $0x3  }
0x92: {  	_ =	strace s19  }
0x93: {  	s2 =	sld [smem:$0x3FFC];
	_ =	sdelay $0x3  }
0x94: {  	_ =	strace s2  }
0x95: {  	s2 =	sld [smem:$0x3FFD];
	_ =	sdelay $0x3  }
0x96: {  	_ =	strace s2  }
0x97: {  	_ =	strace $0x8FFFFFFF  }
0x98: {  	s20 =	sld [smem:$0x3FDB];
	_ =	sdelay $0x1  }
0x99: {  	s4 =	simm.s32 $_scs_section_size  }
0x9a: {  	s5 =	simm.s32 $_size__tile_overlayer_lowered;
	s6 =	simm.s32 $_tile_overlayer_lowered  }
0x9b: {  	s7 =	simm.s32 $0x1BFF;
	s21 =	sshll.u32 s6, $0x1;
	s4 =	sadd.s32 s4, s20  }
0x9c: {  	s22 =	simm.s32 $0x0;
	s5 =	sshll.u32 s5, $0x1;
	s6 =	sadd.s32 s21, s4  }
0x9d: {  	[timem:s22], [sflag:s7] =	dma.local [hbm:s6], s5  }
0x9e: {  	_ =	swait.ge [sflag:s7], s5  }
0x9f: {  	s5 =	ssub.s32 $0x0, s5;
	[sflag:s7] =	ssyncset.done $0x0  }
0xa0: {  	[sflag:s7] =	ssyncadd.s32 s5;
	_ =	sdelay $0x1  }
0xa1: {  	s23 =	simm.s32 $0x1B8B  }
0xa2: {  	_ =	swait.ge [sflag:s23], $0x1  }
0xa3: {  	[sflag:s23] =	ssyncset.done $0x0  }
0xa4: {  	[sflag:s23] =	ssyncadd.s32 $0xFFFFFFFF  }
0xa5: {  	s5 =	sld [smem:$0x0]  }
0xa6: {  	s6 =	sand.u32 $0xFFFFFFFE, s1  }
0xa7: {  	p0 =	sne.s32 s1, s6  }
0xa8: {  	s6 =	sshll.u32 @p0 s6, $0xE  }
0xa9: {  	s6 =	sadd.s32 @p0 $0x11B8D, s6;
	s7 =	sshll.u32 @p0 s5, $0x11  }
0xaa: {  	s6 =	sor.u32 @p0 s7, s6  }
0xab: {  	[sflag:s6] =	ssyncadd.remote.s32 @p0 $0x1;
	_ =	sdelay $0x1  }
0xac: {  	s6 =	simm.s32 @p0 $0x1B8D  }
0xad: {  	_ =	swait.eq @p0 [sflag:s6], $0x1  }
0xae: {  	[sflag:s6] =	ssyncadd.s32 @p0 $0xFFFFFFFF  }
0xaf: {  	s7 =	sshll.u32 @!p0 s1, $0xE  }
0xb0: {  	s7 =	sor.u32 @!p0 $0x4000, s7;
	s6 =	simm.s32 @!p0 $0x1B8D  }
0xb1: {  	s5 =	sshll.u32 @!p0 s5, $0x11;
	s7 =	sadd.s32 @!p0 $0x11B8D, s7;
	_ =	swait.eq @!p0 [sflag:s6], $0x1  }
0xb2: {  	s5 =	sor.u32 @!p0 s5, s7;
	[sflag:s6] =	ssyncadd.s32 @!p0 $0xFFFFFFFF  }
0xb3: {  	s25 =	simm.s32 $0x1B8E;
	s24 =	sld [smem:$0x3FFE];
	[sflag:s5] =	ssyncadd.remote.s32 @!p0 $0x1  }
0xb4: {  	s26 =	simm.s32 $execute0_lowered;
	[smem:$0x3FD2] =	sst s25  }
0xb5: {  	s6 =	sshll.u32 s26, $0x1;
	_ =	strace $0x80000049;
	[dreg:$0x1] =	wrdreg $0xFFFFFFFF  }
0xb6: {  	s28 =	simm.s32 $_size_execute0_lowered;
	s4 =	sadd.s32 s4, s6;
	[dreg:$0x0] =	wrdreg $0x0  }
0xb7: {  	s6 =	sshll.u32 s28, $0x1;
	[dreg:$0x2] =	wrdreg s4  }
0xb8: {  	[dreg:$0x3] =	wrdreg s6  }
0xb9: {  	[dreg:$0x4] =	wrdreg $0xC0  }
0xba: {  	_ =	task [dreg:s22], $0x5FFFF  }
0xbb: {  	[dreg:$0x1] =	wrdreg $0xFFFFFFFF  }
0xbc: {  	[dreg:$0x0] =	wrdreg $0x60  }
0xbd: {  	[dreg:$0x2] =	wrdreg s18  }
0xbe: {  	[dreg:$0x3] =	wrdreg s24  }
0xbf: {  	[dreg:$0x4] =	wrdreg $0x9  }
0xc0: {  	_ =	task.clear_ibuf [dreg:s22], $0x5FFFF;
	_ =	strace $0x90000049  }
0xc1: {  	s29 =	simm.s32 $0x9;
	_ =	strace $0x8000004B  }
0xc2: {  	_ =	swait.ge [sflag:s29], $0x1  }
0xc3: {  	[sflag:s29] =	ssyncadd.s32 $0xFFFFFFFF  }
0xc4: {  	_ =	strace $0x9000004B  }
0xc5: {  	_ =	sfence  }
0xc6: {  	s30 =	sld [smem:$0x0];
	_ =	sdelay $0x2  }
0xc7: {  	s31 =	sshll.u32 s1, $0xD;
	s1 =	sshrl.u32 s1, $0x2  }
0xc8: {  	s4 =	sand.u32 $0x4000, s31;
	s1 =	sadd.s32 s1, s30  }
0xc9: {  	s0 =	sor.u32 s4, s0;
	s1 =	sshll.u32 s1, $0x11  }
0xca: {  	s0 =	sor.u32 s1, s0  }
0xcb: {  	s0 =	sadd.s32 $0x8F2B, s0  }
0xcc: {  	[sflag:s0] =	ssyncadd.remote.s32 $0x1  }
0xcd: {  	_ =	sfence.sel $0xFFFF  }
0xce: {  	[dreg:$0x0] =	wrdreg $0xFFFFFFFF;
	(pc) =	sbr.abs _section_cstart, $3  }
0xcf: {  	[dreg:$0x1] =	wrdreg $0xFFFFFFFF  }
0xd0: {  	_ =	task.clear_ibuf [dreg:s22], $0x2FFFF;
	_ =	strace $0x9FFFFFFF  }
0xd1: {  	(tm) =	ssettm $0x7FFFFFFF  }
tec
execute0_lowered:
.L_overlay_start_1:
0x0: {  	(tag) =	ssettag $0x1  }
0x1: {  	s4 =	rddreg [dreg:$0x0]  }
0x2: {  	s5 =	rddreg [dreg:$0x1]  }
0x3: {  	s0 =	rddreg [dreg:$0x2]  }
0x4: {  	s3 =	srdreg.scid;
	s2 =	simm.s32 $0x0;
	s1 =	stileid.u32  }
0x5: {  	s9 =	simm.s32 $0x400;
	s10 =	simm.s32 $0x1;
	s11 =	simm.s32 $0x0  }
0x6: {  	s6 =	sand.u32 $0x1, s3;
	[smem:$0x7FF] =	sst s2;
	s30 =	sshll.u32 s1, $0xA  }
0x7: {  	s3 =	sadd.s32 $0x421400, s5;
	s7 =	sshll.u32 s6, $0x9;
	s6 =	ssub.s32 $0x2, s6  }
0x8: {  	_ =	strace $0x8000004A;
	s7 =	sor.u32 s7, s30;
	s31 =	sshrl.u32 s6, $0x1  }
0x9: {  	s8 =	sshll.u32 s7, $0x4;
	s7 =	sshrl.u32 s7, $0x3;
	s6 =	ssub.s32 s6, s31  }
0xa: {  	s5 =	sadd.s32 s8, s5;
	s4 =	sadd.s32 s4, s7;
	s6 =	smax.u32 s6, $0x1  }
0xb: {  	s7 =	simm.s32 $0x2;
	s8 =	simm.s32 $0x200;
	s5 =	sadd.s32 $0x801400, s5  }
.LBB2_1:
0xc: {  	[tilespmem:s2], [sflag:$0x2] =	stream.linear.gather [hbm4b:s4+s2], $0x200, $0x38;
	[tilespmem:$0x10400] =	vst v63  }
0xd: {  	_ =	swait.ge [sflag:s7], $0x200  }
0xe: {  	[sflag:s7] =	ssyncset.done $0x0  }
0xf: {  	s12 =	simm.s32 $0x0;
	[sflag:s7] =	ssyncadd.s32 $0xFFFFFE00  }
0x10: {  	s13 =	simm.s32 $0x40;
	v0 =	vld [tilespmem:s12+$0x0]  }
.LBB2_2:
0x11: {  	_ =	sdelay $0x1  }
0x12: {  	p0 =	sne.s32 s13, $0x7C0  }
.Ltmp0:
0x13: {  	_ = 	snop;
	(pc) =	sbr.rel @p0 .LBB2_2-.Ltmp0, $4  }
0x14: {  	v1 =	vshrl.u32 v0, $0x2  }
0x15: {  	v2 =	vand.u32 $0x1FFF, v0;
	v1 =	vand.u32 $0x3FFFE000, v1  }
0x16: {  	s14 =	sshra.s32 s13, $0x2;
	v1 =	vor.u32 v2, v1  }
0x17: {  	s13 =	sadd.s32 $0x40, s13;
	v0 =	vld [tilespmem:s14+$0x0];
	[tilespmem:s12+$0x200] =	vst v1;
	s12 =	smov.u32 s14  }
0x18: {  	_ =	sdelay $0x3  }
0x19: {  	v1 =	vshrl.u32 v0, $0x2  }
0x1a: {  	v63 =	vand.u32 $0x1FFF, v0;
	v1 =	vand.u32 $0x3FFFE000, v1  }
0x1b: {  	v0 =	vor.u32 v63, v1  }
0x1c: {  	[tilespmem:s12+$0x200] =	vst v0  }
0x1d: {  	[tilespmem:s9], [sflag:$0x1] =	stream.indirect.gather [hbm4b:s3+s8], $0x80, s8, s8, $0xb8;
	[tilespmem:$0x10400] =	vst v63  }
0x1e: {  	s11 =	sadd.s32 $0x1, s11;
	_ =	swait.ge [sflag:s10], $0x10000  }
0x1f: {  	p0 =	sne.s32 s11, s6;
	[sflag:s10] =	ssyncset.done $0x0  }
.Ltmp1:
0x20: {  	[sflag:s10] =	ssyncadd.s32 $0xFFFF0000;
	(pc) =	sbr.rel @p0 .LBB2_1-.Ltmp1, $4  }
0x21: {  	[hbm4b:s5+s2] =	stream.linear.scatter [tilespmem:s9], [sflag:$0x2], $0x10000, $0x38;
	[tilespmem:$0x10400] =	vst v63  }
0x22: {  	_ =	swait.ge [sflag:s7], $0x10000  }
0x23: {  	[sflag:s7] =	ssyncset.done $0x0  }
0x24: {  	[sflag:s7] =	ssyncadd.s32 $0xFFFF0000  }
0x25: {  	_ =	sfence.sel $0x180000  }
0x26: {  	[bflag:$0x0] =	sbarrier.arrive $0xFFFF  }
0x27: {  	p0 =	sne.s32 s1, $0x0;
	_ =	strace $0x9000004A  }
0x28: {  	s0 =	sadd.s32 @!p0 $0x100000, s0;
	[bflag:$0x2] =	sbarrier.arrive $0xFFFF  }
0x29: {  	[sflag:s0] =	ssyncadd.tile.s32 @!p0 $0x1;
	_ =	shalt  }
.Lfunc_end2:
_tile_overlayer_lowered:
.L_overlay_start_2:
0x2a: {  	(tag) =	ssettag $0x2  }
0x2b: {  	s0 =	rddreg [dreg:$0x0];
	s2 =	stileid.u32  }
0x2c: {  	s1 =	rddreg [dreg:$0x1];
	p0 =	sne.s32 s2, $0x0  }
0x2d: {  	s3 =	rddreg [dreg:$0x2];
	[bflag:$0x3] =	sbarrier.arrive $0xFFFF;
	s2 =	simm.s32 @!p0 $0x1C02  }
0x2e: {  	[timem:s3], [sflag:s2] =	dma.local @!p0 [hbm:s0], s1  }
0x2f: {  	s0 =	simm.s32 @!p0 $0x2  }
0x30: {  	_ =	swait.ge @!p0 [sflag:s0], s1  }
0x31: {  	s1 =	ssub.s32 @!p0 $0x0, s1;
	[sflag:s0] =	ssyncset.done @!p0 $0x0  }
0x32: {  	[sflag:s0] =	ssyncadd.s32 @!p0 s1  }
0x33: {  	[bflag:$0x3] =	sbarrier.arrive $0xFFFF  }
0x34: {  	_ =	shalt  }

</sc_bundles>
